<compile_context>
chip_gen: v7x
topology: tpu7x:2x2x1
jax: 0.10.2.dev20260603
libtpu: 0.0.44.dev20260713+nightly
codegen_flags: <defaults>
</compile_context>

<pallas_src>
import jax
import jax.numpy as jnp
from jax.experimental import pallas as pl
from jax.experimental.pallas import tpu as pltpu

_BATCH = 4096
_D = 64
_K = 8192
_L = 8
_B_BLK = 128


def _vq_kernel(feat_ref, w_ref, b_ref, cb_ref, logits_ref, qsum_ref,
               x_ref, res_ref, cbt_ref, b2_ref):
    level = pl.program_id(0)
    i = pl.program_id(1)
    rows = pl.ds(i * _B_BLK, _B_BLK)

    @pl.when(i == 0)
    def _per_level():
        cbt = jnp.swapaxes(cb_ref[0], 0, 1)
        cbt_ref[...] = cbt
        b2_ref[...] = jnp.sum(cbt * cbt, axis=0, keepdims=True)

    @pl.when(level == 0)
    def _init():
        x = jnp.dot(feat_ref[...], w_ref[...],
                    preferred_element_type=jnp.float32) + b_ref[...]
        x_ref[rows, :] = x
        res_ref[rows, :] = x

    res = res_ref[rows, :]
    a2 = jnp.sum(res * res, axis=-1, keepdims=True)
    ndots = jax.lax.dot_general(res * -2.0, cbt_ref[...],
                                (((1,), (0,)), ((), ())),
                                preferred_element_type=jnp.float32)
    d2 = (a2 + b2_ref[...]) + ndots
    neg = -jnp.sqrt(jnp.maximum(d2, 1e-12))
    logits_ref[...] = neg

    maxval = jnp.max(neg, axis=-1, keepdims=True)
    iota = jax.lax.broadcasted_iota(jnp.int32, neg.shape, 1)
    ids = jnp.min(jnp.where(neg == maxval, iota, _K), axis=-1,
                  keepdims=True)

    onehot = (iota == ids).astype(jnp.float32)
    quant = jax.lax.dot_general(onehot, cb_ref[0], (((1,), (0,)), ((), ())),
                                preferred_element_type=jnp.float32,
                                precision=jax.lax.Precision.HIGHEST)
    res_ref[rows, :] = res - quant

    @pl.when(level == _L - 1)
    def _finish():
        qsum_ref[...] = x_ref[rows, :] - res_ref[rows, :]


def kernel(features, W_proj, b_proj, codebooks):
    b2d = b_proj.reshape(1, _D)
    grid = (_L, _BATCH // _B_BLK)
    logits, qsum = pl.pallas_call(
        _vq_kernel,
        grid=grid,
        in_specs=[
            pl.BlockSpec((_B_BLK, _D), lambda l, i: (i, 0)),
            pl.BlockSpec((_D, _D), lambda l, i: (0, 0)),
            pl.BlockSpec((1, _D), lambda l, i: (0, 0)),
            pl.BlockSpec((1, _K, _D), lambda l, i: (l, 0, 0)),
        ],
        out_specs=(
            pl.BlockSpec((_B_BLK, _K), lambda l, i: (i, l)),
            pl.BlockSpec((_B_BLK, _D), lambda l, i: (i, 0)),
        ),
        out_shape=(
            jax.ShapeDtypeStruct((_BATCH, _L * _K), jnp.float32),
            jax.ShapeDtypeStruct((_BATCH, _D), jnp.float32),
        ),
        scratch_shapes=[
            pltpu.VMEM((_BATCH, _D), jnp.float32),
            pltpu.VMEM((_BATCH, _D), jnp.float32),
            pltpu.VMEM((_D, _K), jnp.float32),
            pltpu.VMEM((1, _K), jnp.float32),
        ],
        compiler_params=pltpu.CompilerParams(
            vmem_limit_bytes=100 * 1024 * 1024,
        ),
    )(features, W_proj, b2d, codebooks)
    return (logits.reshape(_BATCH, _L, _K), qsum)

# --- scband reference (transcript-rebuilt; emitter-appended) ---
"""Pipeline reference for scband-pmat-42838003811021 (READ-ONLY COPY).

The authoritative reference and input builder live on the scoring server;
editing this copy changes nothing except your own understanding.
"""

import jax, jax.numpy as jnp
import numpy as np

BATCH = 4096
HIDDEN_DIM = 64
CODEBOOK_SIZE = 8192
ID_LENGTH = 8


def setup_inputs(seed: int = 0) -> dict:
    key = jax.random.key(seed)
    k1, k2, k3 = jax.random.split(key, 3)
    features = jax.random.normal(k1, (BATCH, HIDDEN_DIM), dtype=jnp.float32)
    # feature_proj: nn.Linear(hidden_dim, hidden_dim)
    W_proj = jax.random.normal(k2, (HIDDEN_DIM, HIDDEN_DIM), dtype=jnp.float32) * (1.0 / np.sqrt(HIDDEN_DIM))
    b_proj = jnp.zeros((HIDDEN_DIM,), dtype=jnp.float32)
    # id_length codebooks, each nn.Embedding(codebook_size, hidden_dim)
    codebooks = jax.random.normal(k3, (ID_LENGTH, CODEBOOK_SIZE, HIDDEN_DIM), dtype=jnp.float32)
    return {"features": features, "W_proj": W_proj, "b_proj": b_proj, "codebooks": codebooks}


def _cdist(a, b):
    # Euclidean pairwise distance, same math as torch.cdist(p=2)
    a2 = jnp.sum(a * a, axis=-1, keepdims=True)            # (B, 1)
    b2 = jnp.sum(b * b, axis=-1)[None, :]                  # (1, K)
    d2 = a2 + b2 - 2.0 * (a @ b.T)                         # (B, K)
    return jnp.sqrt(jnp.maximum(d2, 1e-12))


def reference(features, W_proj, b_proj, codebooks):
    # features = self.feature_proj(features)
    x = features @ W_proj + b_proj
    residual = x
    quantized_sum = jnp.zeros_like(x)
    logits_list = []
    for level in range(ID_LENGTH):
        cb = codebooks[level]                              # (K, d)
        distances = _cdist(residual, cb)                   # (B, K)
        logits_list.append(-distances)
        ids = jnp.argmin(distances, axis=-1)               # (B,)
        quantized = jnp.take(cb, ids, axis=0)              # embedding lookup -> gather
        quantized_sum = quantized_sum + quantized
        residual = residual - quantized
    semantic_ids_logits = jnp.stack(logits_list, axis=1)   # (B, id_length, K)
    return (semantic_ids_logits, quantized_sum)

if __name__ == "__main__":
    import jax
    _d = setup_inputs()
    print(jax.jit(kernel)(*tuple(_d.values())))

</pallas_src>

<mosaic_0001>
module attributes {stable_mosaic.version = 14 : i64} {
  func.func @_vq_kernel(%arg0: i32, %arg1: i32, %arg2: memref<128x64xf32, #tpu.memory_space<vmem>>, %arg3: memref<64x64xf32, #tpu.memory_space<vmem>>, %arg4: memref<1x64xf32, #tpu.memory_space<vmem>>, %arg5: memref<1x8192x64xf32, #tpu.memory_space<vmem>>, %arg6: memref<128x8192xf32, #tpu.memory_space<vmem>>, %arg7: memref<128x64xf32, #tpu.memory_space<vmem>>, %arg8: memref<4096x64xf32, #tpu.memory_space<vmem>>, %arg9: memref<4096x64xf32, #tpu.memory_space<vmem>>, %arg10: memref<64x8192xf32, #tpu.memory_space<vmem>>, %arg11: memref<1x8192xf32, #tpu.memory_space<vmem>>) attributes {dimension_semantics = [#tpu.dimension_semantics<arbitrary>, #tpu.dimension_semantics<arbitrary>], iteration_bounds = array<i64: 8, 32>, scalar_prefetch = 0 : i64, scratch_operands = 4 : i64, tpu.core_type = #tpu.core_type<tc>, window_params = [{transform_indices = @transform_0, window_bounds = array<i64: 128, 64>}, {pipeline_mode = #tpu.pipeline_mode<synchronous>, transform_indices = @transform_1, window_bounds = array<i64: 64, 64>}, {pipeline_mode = #tpu.pipeline_mode<synchronous>, transform_indices = @transform_2, window_bounds = array<i64: 1, 64>}, {transform_indices = @transform_3, window_bounds = array<i64: 1, 8192, 64>}, {transform_indices = @transform_4, window_bounds = array<i64: 128, 8192>}, {transform_indices = @transform_5, window_bounds = array<i64: 128, 64>}]} {
    %mul3A = arith.constant 128 : i32
    %mul3A_0 = arith.muli %arg1, %mul3A : i32
    %eq3A = arith.constant 0 : i32
    %eq3A_1 = arith.cmpi eq, %arg1, %eq3A : i32
    %convert_element_type3A = arith.extui %eq3A_1 : i1 to i32
    %cond3A = arith.constant 0 : i32
    %cond3A_2 = arith.cmpi ne, %convert_element_type3A, %cond3A : i32
    scf.if %cond3A_2 {
      %get3A_57 = arith.constant 0 : index
      %get3A_58 = arith.constant 0 : index
      %get3A_59 = arith.constant 0 : index
      %get3A_60 = vector.load %arg5[%get3A_57, %get3A_58, %get3A_59] : memref<1x8192x64xf32, #tpu.memory_space<vmem>>, vector<1x8192x64xf32>
      %get3A_61 = vector.shape_cast %get3A_60 : vector<1x8192x64xf32> to vector<8192x64xf32>
      %transpose3A = tpu.transpose %get3A_61, [1, 0] : vector<8192x64xf32> -> vector<64x8192xf32>
      %swap3A_62 = arith.constant 0 : index
      %swap3A_63 = arith.constant 0 : index
      %swap3A_64 = vector.load %arg10[%swap3A_62, %swap3A_63] : memref<64x8192xf32, #tpu.memory_space<vmem>>, vector<64x8192xf32>
      tpu.vector_store %arg10[%swap3A_62, %swap3A_63], %transpose3A {strides = array<i32>} : memref<64x8192xf32, #tpu.memory_space<vmem>>, vector<64x8192xf32>,
      %mul3A_65 = arith.mulf %transpose3A, %transpose3A : vector<64x8192xf32>
      %reduce_sum3A_66 = arith.constant dense<0.000000e+00> : vector<8192xf32>
      %reduce_sum3A_67 = vector.multi_reduction <add>, %mul3A_65, %reduce_sum3A_66 [0] : vector<64x8192xf32> to vector<8192xf32>
      %broadcast_in_dim3A_68 = vector.shape_cast %reduce_sum3A_67 : vector<8192xf32> to vector<1x8192xf32>
      %swap3A_69 = arith.constant 0 : index
      %swap3A_70 = arith.constant 0 : index
      %swap3A_71 = vector.load %arg11[%swap3A_69, %swap3A_70] : memref<1x8192xf32, #tpu.memory_space<vmem>>, vector<1x8192xf32>
      tpu.vector_store %arg11[%swap3A_69, %swap3A_70], %broadcast_in_dim3A_68 {strides = array<i32>} : memref<1x8192xf32, #tpu.memory_space<vmem>>, vector<1x8192xf32>,
    } else {
    }
    %eq3A_3 = arith.constant 0 : i32
    %eq3A_4 = arith.cmpi eq, %arg0, %eq3A_3 : i32
    %convert_element_type3A_5 = arith.extui %eq3A_4 : i1 to i32
    %cond3A_6 = arith.constant 0 : i32
    %cond3A_7 = arith.cmpi ne, %convert_element_type3A_5, %cond3A_6 : i32
    scf.if %cond3A_7 {
      %get3A_57 = arith.constant 0 : index
      %get3A_58 = arith.constant 0 : index
      %get3A_59 = vector.load %arg2[%get3A_57, %get3A_58] : memref<128x64xf32, #tpu.memory_space<vmem>>, vector<128x64xf32>
      %get3A_60 = arith.constant 0 : index
      %get3A_61 = arith.constant 0 : index
      %get3A_62 = vector.load %arg3[%get3A_60, %get3A_61] : memref<64x64xf32, #tpu.memory_space<vmem>>, vector<64x64xf32>
      %dot_general3A_63 = arith.constant dense<0.000000e+00> : vector<128x64xf32>
      %dot_general3A_64 = tpu.matmul %get3A_59, %get3A_62, %dot_general3A_63 {dimension_numbers = #tpu.dot_dimension_numbers<[1], [0], [0], [1], [0, 0, 1, 1], [], []>, transpose_lhs_hint = false} : vector<128x64xf32>, vector<64x64xf32>, vector<128x64xf32> -> vector<128x64xf32>
      %get3A_65 = arith.constant 0 : index
      %get3A_66 = arith.constant 0 : index
      %get3A_67 = vector.load %arg4[%get3A_65, %get3A_66] : memref<1x64xf32, #tpu.memory_space<vmem>>, vector<1x64xf32>
      %add3A_68 = vector.broadcast %get3A_67 : vector<1x64xf32> to vector<128x64xf32>
      %add3A_69 = arith.addf %dot_general3A_64, %add3A_68 : vector<128x64xf32>
      %swap3A_70 = arith.index_cast %mul3A_0 : i32 to index
      %swap3A_71 = arith.constant 0 : index
      %swap3A_72 = vector.load %arg8[%swap3A_70, %swap3A_71] : memref<4096x64xf32, #tpu.memory_space<vmem>>, vector<128x64xf32>
      tpu.vector_store %arg8[%swap3A_70, %swap3A_71], %add3A_69 {strides = array<i32>} : memref<4096x64xf32, #tpu.memory_space<vmem>>, vector<128x64xf32>,
      %swap3A_73 = arith.index_cast %mul3A_0 : i32 to index
      %swap3A_74 = arith.constant 0 : index
      %swap3A_75 = vector.load %arg9[%swap3A_73, %swap3A_74] : memref<4096x64xf32, #tpu.memory_space<vmem>>, vector<128x64xf32>
      tpu.vector_store %arg9[%swap3A_73, %swap3A_74], %add3A_69 {strides = array<i32>} : memref<4096x64xf32, #tpu.memory_space<vmem>>, vector<128x64xf32>,
    } else {
    }
    %get3A = arith.index_cast %mul3A_0 : i32 to index
    %get3A_8 = arith.constant 0 : index
    %get3A_9 = vector.load %arg9[%get3A, %get3A_8] : memref<4096x64xf32, #tpu.memory_space<vmem>>, vector<128x64xf32>
    %mul3A_10 = arith.mulf %get3A_9, %get3A_9 : vector<128x64xf32>
    %reduce_sum3A = arith.constant dense<0.000000e+00> : vector<128xf32>
    %reduce_sum3A_11 = vector.multi_reduction <add>, %mul3A_10, %reduce_sum3A [1] : vector<128x64xf32> to vector<128xf32>
    %broadcast_in_dim3A = vector.shape_cast %reduce_sum3A_11 : vector<128xf32> to vector<128x1xf32>
    %mul3A_12 = arith.constant -2.000000e+00 : f32
    %mul3A_13 = vector.broadcast %mul3A_12 : f32 to vector<128x64xf32>
    %mul3A_14 = arith.mulf %get3A_9, %mul3A_13 : vector<128x64xf32>
    %get3A_15 = arith.constant 0 : index
    %get3A_16 = arith.constant 0 : index
    %get3A_17 = vector.load %arg10[%get3A_15, %get3A_16] : memref<64x8192xf32, #tpu.memory_space<vmem>>, vector<64x8192xf32>
    %dot_general3A = arith.constant dense<0.000000e+00> : vector<128x8192xf32>
    %dot_general3A_18 = tpu.matmul %mul3A_14, %get3A_17, %dot_general3A {dimension_numbers = #tpu.dot_dimension_numbers<[1], [0], [0], [1], [0, 0, 1, 1], [], []>, transpose_lhs_hint = false} : vector<128x64xf32>, vector<64x8192xf32>, vector<128x8192xf32> -> vector<128x8192xf32>
    %get3A_19 = arith.constant 0 : index
    %get3A_20 = arith.constant 0 : index
    %get3A_21 = vector.load %arg11[%get3A_19, %get3A_20] : memref<1x8192xf32, #tpu.memory_space<vmem>>, vector<1x8192xf32>
    %add3A = vector.broadcast %broadcast_in_dim3A : vector<128x1xf32> to vector<128x8192xf32>
    %add3A_22 = vector.broadcast %get3A_21 : vector<1x8192xf32> to vector<128x8192xf32>
    %add3A_23 = arith.addf %add3A, %add3A_22 : vector<128x8192xf32>
    %add3A_24 = arith.addf %add3A_23, %dot_general3A_18 : vector<128x8192xf32>
    %max3A = arith.constant 9.99999996E-13 : f32
    %max3A_25 = vector.broadcast %max3A : f32 to vector<128x8192xf32>
    %max3A_26 = arith.maximumf %add3A_24, %max3A_25 : vector<128x8192xf32>
    %sqrt3A = math.sqrt %max3A_26 : vector<128x8192xf32>
    %neg3A = arith.constant 0.000000e+00 : f32
    %neg3A_27 = vector.broadcast %neg3A : f32 to vector<128x8192xf32>
    %neg3A_28 = arith.subf %neg3A_27, %sqrt3A : vector<128x8192xf32>
    %swap3A = arith.constant 0 : index
    %swap3A_29 = arith.constant 0 : index
    %swap3A_30 = vector.load %arg6[%swap3A, %swap3A_29] : memref<128x8192xf32, #tpu.memory_space<vmem>>, vector<128x8192xf32>
    tpu.vector_store %arg6[%swap3A, %swap3A_29], %neg3A_28 {strides = array<i32>} : memref<128x8192xf32, #tpu.memory_space<vmem>>, vector<128x8192xf32>,
    %reduce_max3A = arith.constant dense<0xFF800000> : vector<128xf32>
    %reduce_max3A_31 = vector.multi_reduction <maximumf>, %neg3A_28, %reduce_max3A [1] : vector<128x8192xf32> to vector<128xf32>
    %broadcast_in_dim3A_32 = vector.shape_cast %reduce_max3A_31 : vector<128xf32> to vector<128x1xf32>
    %iota3A = tpu.iota {dimensions = array<i32: 1>} : vector<128x8192xi32>
    %eq3A_33 = vector.broadcast %broadcast_in_dim3A_32 : vector<128x1xf32> to vector<128x8192xf32>
    %eq3A_34 = arith.cmpf oeq, %neg3A_28, %eq3A_33 : vector<128x8192xf32>
    %jit3A = arith.constant 8192 : i32
    %broadcast_in_dim3A_35 = vector.broadcast %jit3A : i32 to vector<128x8192xi32>
    %select_n3A = arith.select %eq3A_34, %iota3A, %broadcast_in_dim3A_35 : vector<128x8192xi1>, vector<128x8192xi32>
    %reduce_min3A = arith.constant dense<2147483647> : vector<128xi32>
    %reduce_min3A_36 = vector.multi_reduction <minsi>, %select_n3A, %reduce_min3A [1] : vector<128x8192xi32> to vector<128xi32>
    %broadcast_in_dim3A_37 = vector.shape_cast %reduce_min3A_36 : vector<128xi32> to vector<128x1xi32>
    %eq3A_38 = vector.broadcast %broadcast_in_dim3A_37 : vector<128x1xi32> to vector<128x8192xi32>
    %eq3A_39 = arith.cmpi eq, %iota3A, %eq3A_38 : vector<128x8192xi32>
    %convert_element_type3A_40 = arith.extui %eq3A_39 : vector<128x8192xi1> to vector<128x8192xi32>
    %convert_element_type3A_41 = arith.sitofp %convert_element_type3A_40 : vector<128x8192xi32> to vector<128x8192xf32>
    %get3A_42 = arith.constant 0 : index
    %get3A_43 = arith.constant 0 : index
    %get3A_44 = arith.constant 0 : index
    %get3A_45 = vector.load %arg5[%get3A_42, %get3A_43, %get3A_44] : memref<1x8192x64xf32, #tpu.memory_space<vmem>>, vector<1x8192x64xf32>
    %get3A_46 = vector.shape_cast %get3A_45 : vector<1x8192x64xf32> to vector<8192x64xf32>
    %dot_general3A_47 = arith.constant dense<0.000000e+00> : vector<128x64xf32>
    %dot_general3A_48 = tpu.matmul %convert_element_type3A_41, %get3A_46, %dot_general3A_47 {dimension_numbers = #tpu.dot_dimension_numbers<[1], [0], [0], [1], [0, 0, 1, 1], [], []>, precision = #tpu.contract_precision<fp32>, transpose_lhs_hint = false} : vector<128x8192xf32>, vector<8192x64xf32>, vector<128x64xf32> -> vector<128x64xf32>
    %sub3A = arith.subf %get3A_9, %dot_general3A_48 : vector<128x64xf32>
    %swap3A_49 = arith.index_cast %mul3A_0 : i32 to index
    %swap3A_50 = arith.constant 0 : index
    %swap3A_51 = vector.load %arg9[%swap3A_49, %swap3A_50] : memref<4096x64xf32, #tpu.memory_space<vmem>>, vector<128x64xf32>
    tpu.vector_store %arg9[%swap3A_49, %swap3A_50], %sub3A {strides = array<i32>} : memref<4096x64xf32, #tpu.memory_space<vmem>>, vector<128x64xf32>,
    %eq3A_52 = arith.constant 7 : i32
    %eq3A_53 = arith.cmpi eq, %arg0, %eq3A_52 : i32
    %convert_element_type3A_54 = arith.extui %eq3A_53 : i1 to i32
    %cond3A_55 = arith.constant 0 : i32
    %cond3A_56 = arith.cmpi ne, %convert_element_type3A_54, %cond3A_55 : i32
    scf.if %cond3A_56 {
      %get3A_57 = arith.index_cast %mul3A_0 : i32 to index
      %get3A_58 = arith.constant 0 : index
      %get3A_59 = vector.load %arg8[%get3A_57, %get3A_58] : memref<4096x64xf32, #tpu.memory_space<vmem>>, vector<128x64xf32>
      %get3A_60 = arith.index_cast %mul3A_0 : i32 to index
      %get3A_61 = arith.constant 0 : index
      %get3A_62 = vector.load %arg9[%get3A_60, %get3A_61] : memref<4096x64xf32, #tpu.memory_space<vmem>>, vector<128x64xf32>
      %sub3A_63 = arith.subf %get3A_59, %get3A_62 : vector<128x64xf32>
      %swap3A_64 = arith.constant 0 : index
      %swap3A_65 = arith.constant 0 : index
      %swap3A_66 = vector.load %arg7[%swap3A_64, %swap3A_65] : memref<128x64xf32, #tpu.memory_space<vmem>>, vector<128x64xf32>
      tpu.vector_store %arg7[%swap3A_64, %swap3A_65], %sub3A_63 {strides = array<i32>} : memref<128x64xf32, #tpu.memory_space<vmem>>, vector<128x64xf32>,
    } else {
    }
    return
  }
  func.func @transform_0(%arg0: i32, %arg1: i32) -> (i32, i32) {
    %c0_i32 = arith.constant 0 : i32
    %c0_i32_0 = arith.constant 0 : i32
    return %arg1, %c0_i32 : i32, i32
  }
  func.func @transform_1(%arg0: i32, %arg1: i32) -> (i32, i32) {
    %c0_i32 = arith.constant 0 : i32
    %c0_i32_0 = arith.constant 0 : i32
    %c0_i32_1 = arith.constant 0 : i32
    return %c0_i32, %c0_i32_0 : i32, i32
  }
  func.func @transform_2(%arg0: i32, %arg1: i32) -> (i32, i32) {
    %c0_i32 = arith.constant 0 : i32
    %c0_i32_0 = arith.constant 0 : i32
    %c0_i32_1 = arith.constant 0 : i32
    return %c0_i32, %c0_i32_0 : i32, i32
  }
  func.func @transform_3(%arg0: i32, %arg1: i32) -> (i32, i32, i32) {
    %c0_i32 = arith.constant 0 : i32
    %c0_i32_0 = arith.constant 0 : i32
    %c0_i32_1 = arith.constant 0 : i32
    return %arg0, %c0_i32, %c0_i32_0 : i32, i32, i32
  }
  func.func @transform_4(%arg0: i32, %arg1: i32) -> (i32, i32) {
    %c0_i32 = arith.constant 0 : i32
    return %arg1, %arg0 : i32, i32
  }
  func.func @transform_5(%arg0: i32, %arg1: i32) -> (i32, i32) {
    %c0_i32 = arith.constant 0 : i32
    %c0_i32_0 = arith.constant 0 : i32
    return %arg1, %c0_i32 : i32, i32
  }
}

</mosaic_0001>

<sc_bundles>
// kernel: sparse-core-data-format-call.cloned.1.call-start
scs
called_computation_lowered:
.L_overlay_start_0:
0x0: {  	s2 =	sld [smem:$0x3FD9]  }
0x1: {  	s3 =	sld [smem:$0x3FFE];
	_ =	sdelay $0x1  }
0x2: {  	s1 =	srdreg.scid  }
0x3: {  	s0 =	sand.u32 $0x1, s1  }
0x4: {  	s15 =	sshll.u32 s0, $0xA;
	s2 =	sadd.s32 s3, s2  }
0x5: {  	s2 =	sadd.s32 s2, s15  }
0x6: {  	[smem:$0x3FC4] =	sst s2  }
0x7: {  	_ = 	snop  }
0x8: {  	s2 =	sld [smem:$0x3FD0];
	_ =	sdelay $0x2  }
0x9: {  	s16 =	simm.s32 $0xA;
	s4 =	simm.s32 $0x10  }
0xa: {  	[smem:s4], [sflag:s16] =	dma.local [hbm:s2], $0x1  }
0xb: {  	_ =	swait.eq [sflag:s16], $0x1  }
0xc: {  	[sflag:s16] =	ssyncset.done $0x0  }
0xd: {  	[sflag:s16] =	ssyncadd.s32 $0xFFFFFFFF  }
0xe: {  	s17 =	sld [smem:$0x10];
	(tm) =	ssettm $0x1  }
0xf: {  	s18 =	sld [smem:$0x3FFB];
	_ =	sdelay $0x3  }
0x10: {  	_ =	strace s18  }
0x11: {  	s3 =	sld [smem:$0x3FFC];
	_ =	sdelay $0x3  }
0x12: {  	_ =	strace s3  }
0x13: {  	s3 =	sld [smem:$0x3FFD];
	_ =	sdelay $0x3  }
0x14: {  	_ =	strace s3  }
0x15: {  	_ =	strace $0x8FFFFFFF  }
0x16: {  	s19 =	sld [smem:$0x3FDB];
	_ =	sdelay $0x1  }
0x17: {  	s20 =	simm.s32 $_scs_section_size  }
0x18: {  	s5 =	simm.s32 $_size__tile_overlayer_lowered;
	s6 =	simm.s32 $_tile_overlayer_lowered  }
0x19: {  	s23 =	simm.s32 $0x1BFF;
	s22 =	sshll.u32 s6, $0x1;
	s3 =	sadd.s32 s20, s19  }
0x1a: {  	s7 =	simm.s32 $0x0;
	s21 =	sshll.u32 s5, $0x1;
	s5 =	sadd.s32 s22, s3  }
0x1b: {  	[timem:s7], [sflag:s23] =	dma.local [hbm:s5], s21  }
0x1c: {  	_ =	swait.ge [sflag:s23], s21  }
0x1d: {  	s4 =	ssub.s32 $0x0, s21;
	[sflag:s23] =	ssyncset.done $0x0  }
0x1e: {  	[sflag:s23] =	ssyncadd.s32 s4;
	_ =	sdelay $0x1  }
0x1f: {  	s24 =	simm.s32 $0x1B8B  }
0x20: {  	_ =	swait.ge [sflag:s24], $0x1  }
0x21: {  	[sflag:s24] =	ssyncset.done $0x0  }
0x22: {  	s26 =	simm.s32 $0x1B8E;
	s25 =	sld [smem:$0x3FFE];
	[sflag:s24] =	ssyncadd.s32 $0xFFFFFFFF  }
0x23: {  	s27 =	simm.s32 $execute0_lowered;
	[smem:$0x3FD2] =	sst s26  }
0x24: {  	s5 =	sshll.u32 s27, $0x1;
	_ =	strace $0x80000046;
	[dreg:$0x1] =	wrdreg $0xFFFFFFFF  }
0x25: {  	s28 =	simm.s32 $_size_execute0_lowered;
	s3 =	sadd.s32 s3, s5;
	[dreg:$0x0] =	wrdreg $0x0  }
0x26: {  	s5 =	sshll.u32 s28, $0x1;
	[dreg:$0x2] =	wrdreg s3  }
0x27: {  	[dreg:$0x3] =	wrdreg s5  }
0x28: {  	[dreg:$0x4] =	wrdreg $0xC0  }
0x29: {  	_ =	task [dreg:s7], $0x5FFFF  }
0x2a: {  	[dreg:$0x1] =	wrdreg $0xFFFFFFFF  }
0x2b: {  	[dreg:$0x0] =	wrdreg $0x60  }
0x2c: {  	[dreg:$0x2] =	wrdreg s25  }
0x2d: {  	[dreg:$0x3] =	wrdreg s17  }
0x2e: {  	[dreg:$0x4] =	wrdreg $0x9  }
0x2f: {  	_ =	task.clear_ibuf [dreg:s7], $0x5FFFF;
	_ =	strace $0x90000046  }
0x30: {  	s29 =	simm.s32 $0x9;
	_ =	strace $0x80000048  }
0x31: {  	_ =	swait.ge [sflag:s29], $0x1  }
0x32: {  	[sflag:s29] =	ssyncadd.s32 $0xFFFFFFFF  }
0x33: {  	_ =	strace $0x90000048  }
0x34: {  	_ =	sfence  }
0x35: {  	s30 =	sld [smem:$0x0];
	_ =	sdelay $0x2  }
0x36: {  	s31 =	sshll.u32 s1, $0xD;
	s1 =	sshrl.u32 s1, $0x2  }
0x37: {  	s3 =	sand.u32 $0x4000, s31;
	s1 =	sadd.s32 s1, s30  }
0x38: {  	s0 =	sor.u32 s3, s0;
	s1 =	sshll.u32 s1, $0x11  }
0x39: {  	s0 =	sor.u32 s1, s0  }
0x3a: {  	s0 =	sadd.s32 $0x8F2B, s0  }
0x3b: {  	[sflag:s0] =	ssyncadd.remote.s32 $0x1  }
0x3c: {  	_ =	sfence.sel $0xFFFF  }
0x3d: {  	[dreg:$0x0] =	wrdreg $0xFFFFFFFF;
	(pc) =	sbr.abs _section_cstart, $3  }
0x3e: {  	[dreg:$0x1] =	wrdreg $0xFFFFFFFF  }
0x3f: {  	_ =	task.clear_ibuf [dreg:s7], $0x2FFFF;
	_ =	strace $0x9FFFFFFF  }
0x40: {  	(tm) =	ssettm $0x7FFFFFFF  }
0x41: {  	_ =	shalt  }
tec
execute0_lowered:
.L_overlay_start_1:
0x0: {  	(tag) =	ssettag $0x1  }
0x1: {  	s1 =	rddreg [dreg:$0x0]  }
0x2: {  	s2 =	rddreg [dreg:$0x1]  }
0x3: {  	s0 =	rddreg [dreg:$0x2]  }
0x4: {  	_ =	strace $0x80000047;
	s4 =	srdreg.scid;
	s6 =	simm.s32 $0x2  }
0x5: {  	s12 =	simm.s32 $0x0;
	p0 =	por $0x0, $0x0;
	s13 =	simm.s32 $0x0  }
0x6: {  	s15 =	simm.s32 $0x0;
	s14 =	simm.s32 $0x0;
	s8 =	simm.s32 $0x0  }
.Ltmp0:
0x7: {  	s9 =	simm.s32 $0x0;
	s10 =	simm.s32 $0x0;
	(pc) =	sbr.rel .LBB1_1-.Ltmp0, $4  }
0x8: {  	s7 =	simm.s32 $0x0;
	s3 =	sadd.s32 $0x20800, s1;
	s5 =	sshll.u32 s4, $0x4  }
0x9: {  	s1 =	stileid.u32;
	s4 =	simm.s32 $0x1;
	s5 =	sand.u32 $0x10, s5  }
0xa: {  	s21 =	simm.s32 $0x0;
	[sflag:s4] =	ssyncpa.u1 $0x0;
	s5 =	sor.u32 s1, s5  }
0xb: {  	[sflag:s6] =	ssyncpa.u1 $0x0;
	s6 =	simm.s32 $0x10000;
	s11 =	smov.u32 s5  }
.LBB1_7:
0xc: {  	s16 =	sadd.s32 $0x100, s8  }
0xd: {  	s12 =	sadd.s32 $0x8, s9;
	s17 =	smov.u32 s9;
	p2 =	sgt.s32 s16, $0x1FFF  }
0xe: {  	s17 =	smov.u32 @p2 s12  }
0xf: {  	s18 =	smov.u32 s10;
	s12 =	sadd.s32 $0x8, s10;
	p3 =	sgt.s32 s17, $0x7  }
0x10: {  	s18 =	smov.u32 @p3 s12  }
0x11: {  	s19 =	smov.u32 s11;
	s12 =	sadd.s32 $0x20, s11;
	p4 =	sgt.s32 s18, $0x7  }
0x12: {  	p1 =	slt.u32 s7, $0x2;
	s19 =	smov.u32 @p4 s12  }
0x13: {  	s7 =	sadd.s32 $0x1, s7;
	s16 =	simm.s32 @p2 $0x0;
	p2 =	sgt.s32 s19, $0x1FF  }
0x14: {  	s20 =	simm.s32 @!p1 $0x2;
	s19 =	smov.u32 @p2 s5;
	p2 =	sne.s32 s7, $0x202  }
.Ltmp1:
0x15: {  	s13 =	smov.u32 s9;
	_ =	swait.ge @!p1 [sflag:s20], $0x4000;
	(pc) =	sbr.rel @!p2 .LBB1_8-.Ltmp1, $4  }
0x16: {  	s15 =	smov.u32 s10;
	s14 =	smov.u32 s11;
	[sflag:s20] =	ssyncset.done @!p1 $0x0  }
0x17: {  	p0 =	por !p0, !p0;
	s17 =	simm.s32 @p3 $0x0;
	[sflag:s20] =	ssyncadd.s32 @!p1 $0xFFFFC000  }
0x18: {  	s9 =	smov.u32 s17;
	s18 =	simm.s32 @p4 $0x0;
	s12 =	smov.u32 s8  }
0x19: {  	s8 =	smov.u32 s16;
	s10 =	smov.u32 s18;
	s11 =	smov.u32 s19  }
.LBB1_1:
0x1a: {  	p1 =	sgt.u32 s7, $0x1FF  }
0x1b: {  	s16 =	sxor.u32 @!p1 $0xFFFFFFFF, s7  }
0x1c: {  	s17 =	sshll.u32 @!p1 s9, $0x7;
	s18 =	sand.u32 @!p1 $0x78, s8;
	s19 =	sshll.u32 @!p1 s8, $0x3  }
0x1d: {  	s20 =	sand.u32 @!p1 $0x1C00, s8;
	s16 =	sshll.u32 @!p1 s16, $0xE;
	s17 =	sand.u32 @!p1 $0x380, s17  }
0x1e: {  	s19 =	sand.u32 @!p1 $0x1C00, s19;
	s17 =	sor.u32 @!p1 s17, s18;
	s18 =	sshll.u32 @!p1 s11, $0x10  }
0x1f: {  	s17 =	sor.u32 @!p1 s19, s17;
	s19 =	sshll.u32 @!p1 s10, $0xD;
	s18 =	sadd.s32 @!p1 s3, s18  }
0x20: {  	s16 =	sand.u32 @!p1 $0x4000, s16;
	s18 =	sadd.s32 @!p1 s19, s18;
	s19 =	sand.u32 @!p1 $0x7, s8  }
0x21: {  	s17 =	sshrl.u32 @!p1 s17, $0x3;
	s18 =	sadd.s32 @!p1 s20, s18;
	s19 =	sshll.u32 @!p1 s19, $0x12  }
0x22: {  	s17 =	sadd.s32 @!p1 s17, s18;
	s18 =	sor.u32 @!p1 $0x800, s19;
	s19 =	simm.s32 @!p1 $0x10000  }
0x23: {  	[tilespmem:s16], [sflag:$0x1] =	stream.strided.gather @!p1 [hbm4b:s17+s18], $0x4000, s19, s18, $0x38;
	[tilespmem:$0x10000] =	vst v63  }
0x24: {  	p1 =	seq.s32 s7, $0x0  }
0x25: {  	p2 =	seq.s32 @!p1 s7, $0x201  }
0x26: {  	p1 =	por p1, p2  }
.Ltmp2:
0x27: {  	_ = 	snop;
	(pc) =	sbr.rel @p1 .LBB1_7-.Ltmp2, $1  }
0x28: {  	_ =	sdelay $0x3  }
0x29: {  	s16 =	simm.s32 $0x1  }
0x2a: {  	_ =	swait.ge [sflag:s4], $0x4000;
	s31 =	sshll.u32 s7, $0xE;
	p1 =	por $0x0, $0x0  }
0x2b: {  	s22 =	simm.s32 $0x0;
	s23 =	simm.s32 $0x0;
	s16 =	simm.s32 @!p0 $0x0  }
0x2c: {  	[sflag:s4] =	ssyncset.done $0x0;
	s19 =	sand.u32 $0x4000, s31;
	s16 =	sshll.u32 s16, $0x10  }
0x2d: {  	[sflag:s4] =	ssyncadd.s32 $0xFFFFC000;
	s20 =	sshrl.u32 s16, $0x2;
	s16 =	sor.u32 $0x8000, s19  }
0x2e: {  	s17 =	sor.u32 $0x40, s20;
	s18 =	sor.u32 $0x8410, s20;
	s20 =	sadd.s32 $0x8400, s20  }
.LBB1_3:
0x2f: {  	v1 =	vld [tilespmem:s17+$0xFFFFFFD0]  }
0x30: {  	v2 =	vld [tilespmem:s17+$0x430]  }
0x31: {  	s24 =	sshll.u32 s23, $0xB;
	v4 =	vld [tilespmem:s17+$0xFFFFFFE0]  }
0x32: {  	v7 =	vld [tilespmem:s17+$0xFFFFFFF0];
	v0 =	vmov s24  }
0x33: {  	v8 =	vld [tilespmem:s17+$0x0]  }
0x34: {  	s30 =	sand.u32 $0x300, s21;
	v9 =	vld [tilespmem:s17+$0x10]  }
0x35: {  	s25 =	sand.u32 $0x80, s21;
	v10 =	vld [tilespmem:s17+$0x20];
	s24 =	sadd.s32 s30, s19  }
0x36: {  	v11 =	vld [tilespmem:s17+$0x30];
	s24 =	sadd.s32 s25, s24;
	s25 =	simm.s32 $0x1;
	[tilespmem:s18+$0x60] =	vst v2  }
0x37: {  	s31 =	sshll.u32 s22, $0x2;
	s25 =	simm.s32 @!p1 $0x0;
	[tilespmem:s18+$0xFFFFFC00] =	vst v1;
	v3 =	vld.idx.msk [tilespmem:v0+s24+$0x400 ss:$0x1], $0xffff  }
0x38: {  	v6 =	vld [tilespmem:s17+$0x3D0];
	s25 =	sshll.u32 s25, $0x9;
	[tilespmem:s18+$0xFFFFFC10] =	vst v4;
	s24 =	sand.u32 $0xFFFFFC00, s31  }
0x39: {  	v5 =	vld [tilespmem:s17+$0x3E0];
	[tilespmem:s18+$0xFFFFFC20] =	vst v7;
	s24 =	sor.u32 s25, s24  }
0x3a: {  	[tilespmem:s18+$0xFFFFFC30] =	vst v8;
	v4 =	vld [tilespmem:s17+$0x400];
	s24 =	sshrl.u32 s24, $0x2  }
0x3b: {  	[tilespmem:s18+$0xFFFFFC40] =	vst v9;
	v1 =	vld [tilespmem:s17+$0x410];
	s24 =	sadd.s32 s24, s20  }
0x3c: {  	[tilespmem:s24+$0x0] =	vst v3;
	v3 =	vld [tilespmem:s17+$0x3F0]  }
0x3d: {  	s28 =	simm.s32 $0x80;
	s27 =	simm.s32 $0x100;
	[tilespmem:s18+$0xFFFFFC50] =	vst v10;
	v2 =	vld [tilespmem:s17+$0x420]  }
0x3e: {  	s26 =	smov.u32 s18;
	s29 =	sand.u32 $0x300, s28;
	v7 =	vld [tilespmem:s17+$0xFFFFFFC0];
	[tilespmem:s18+$0xFFFFFC60] =	vst v11;
	s25 =	sadd.s32 $0x80, s17  }
.LBB1_4:
0x3f: {  	p2 =	sne.s32 s27, $0x380;
	v8 =	vld [tilespmem:s25+$0xFFFFFFD0];
	s28 =	sand.u32 $0x80, s28;
	s29 =	sadd.s32 s29, s19;
	[tilespmem:s26+$0x0] =	vst v6  }
0x40: {  	s29 =	sadd.s32 s28, s29;
	v6 =	vld [tilespmem:s25+$0x430];
	[tilespmem:s26+$0x10] =	vst v5;
	s28 =	smov.u32 s27  }
0x41: {  	v5 =	vld.idx.msk [tilespmem:v0+s29+$0x400 ss:$0x1], $0xffff;
	[tilespmem:s26+$0x20] =	vst v3  }
0x42: {  	v3 =	vld [tilespmem:s25+$0xFFFFFFE0];
	[tilespmem:s26+$0x30] =	vst v4  }
0x43: {  	v4 =	vld [tilespmem:s25+$0xFFFFFFF0];
	[tilespmem:s26+$0xFFFFFBF0] =	vst v7  }
0x44: {  	v7 =	vld [tilespmem:s25+$0x0];
	[tilespmem:s26+$0x40] =	vst v1  }
0x45: {  	v1 =	vld [tilespmem:s25+$0x10];
	[tilespmem:s26+$0x50] =	vst v2;
	s26 =	sadd.s32 $0x800, s26  }
0x46: {  	s24 =	sadd.s32 $0x800, s24;
	v2 =	vld [tilespmem:s25+$0x20];
	[tilespmem:s26+$0x60] =	vst v6  }
0x47: {  	v9 =	vld [tilespmem:s25+$0x30];
	[tilespmem:s24+$0x0] =	vst v5  }
0x48: {  	[tilespmem:s26+$0xFFFFFC00] =	vst v8;
	v6 =	vld [tilespmem:s25+$0x3D0]  }
0x49: {  	[tilespmem:s26+$0xFFFFFC10] =	vst v3;
	v5 =	vld [tilespmem:s25+$0x3E0]  }
.Ltmp3:
0x4a: {  	[tilespmem:s26+$0xFFFFFC20] =	vst v4;
	v3 =	vld [tilespmem:s25+$0x3F0];
	(pc) =	sbr.rel @p2 .LBB1_4-.Ltmp3, $4  }
0x4b: {  	[tilespmem:s26+$0xFFFFFC30] =	vst v7;
	v4 =	vld [tilespmem:s25+$0x400]  }
0x4c: {  	[tilespmem:s26+$0xFFFFFC40] =	vst v1;
	v1 =	vld [tilespmem:s25+$0x410]  }
0x4d: {  	[tilespmem:s26+$0xFFFFFC50] =	vst v2;
	v2 =	vld [tilespmem:s25+$0x420]  }
0x4e: {  	s27 =	sadd.s32 $0x80, s27;
	s29 =	sand.u32 $0x300, s28;
	v7 =	vld [tilespmem:s25+$0xFFFFFFC0];
	[tilespmem:s26+$0xFFFFFC60] =	vst v9;
	s25 =	sadd.s32 $0x80, s25  }
0x4f: {  	[tilespmem:s26+$0x0] =	vst v6  }
0x50: {  	[tilespmem:s26+$0x10] =	vst v5  }
0x51: {  	v49 =	vld [tilespmem:s25+$0x430];
	[tilespmem:s26+$0x20] =	vst v3  }
0x52: {  	v50 =	vld [tilespmem:s25+$0xFFFFFFD0];
	[tilespmem:s26+$0x30] =	vst v4  }
0x53: {  	v51 =	vld [tilespmem:s25+$0xFFFFFFE0];
	[tilespmem:s26+$0x40] =	vst v1  }
0x54: {  	v52 =	vld [tilespmem:s25+$0xFFFFFFF0];
	[tilespmem:s26+$0x50] =	vst v2  }
0x55: {  	s31 =	sadd.s32 $0x800, s26;
	v53 =	vld [tilespmem:s25+$0x0];
	[tilespmem:s26+$0xFFFFFBF0] =	vst v7  }
0x56: {  	v54 =	vld [tilespmem:s25+$0x10];
	[tilespmem:s31+$0x60] =	vst v49  }
0x57: {  	v55 =	vld [tilespmem:s25+$0x20];
	[tilespmem:s31+$0xFFFFFC00] =	vst v50  }
0x58: {  	v56 =	vld [tilespmem:s25+$0x30];
	[tilespmem:s31+$0xFFFFFC10] =	vst v51  }
0x59: {  	v57 =	vld [tilespmem:s25+$0x3D0];
	[tilespmem:s31+$0xFFFFFC20] =	vst v52  }
0x5a: {  	v58 =	vld [tilespmem:s25+$0x3E0];
	[tilespmem:s31+$0xFFFFFC30] =	vst v53  }
0x5b: {  	v59 =	vld [tilespmem:s25+$0x3F0];
	[tilespmem:s31+$0xFFFFFC40] =	vst v54  }
0x5c: {  	v60 =	vld [tilespmem:s25+$0x400];
	[tilespmem:s31+$0xFFFFFC50] =	vst v55  }
0x5d: {  	v61 =	vld [tilespmem:s25+$0xFFFFFFC0];
	[tilespmem:s31+$0xFFFFFC60] =	vst v56  }
0x5e: {  	s27 =	sand.u32 $0x80, s28;
	s30 =	sadd.s32 s29, s19;
	v62 =	vld [tilespmem:s25+$0x410];
	[tilespmem:s31+$0x0] =	vst v57  }
0x5f: {  	v63 =	vld [tilespmem:s25+$0x420];
	s23 =	sadd.s32 $0x1, s23;
	s27 =	sadd.s32 s27, s30;
	[tilespmem:s31+$0x10] =	vst v58  }
0x60: {  	p2 =	sne.s32 s23, $0x8;
	v0 =	vld.idx.msk [tilespmem:v0+s27+$0x400 ss:$0x1], $0xffff;
	[tilespmem:s31+$0x20] =	vst v59  }
.Ltmp4:
0x61: {  	[tilespmem:s31+$0x30] =	vst v60;
	(pc) =	sbr.rel @p2 .LBB1_3-.Ltmp4, $4  }
0x62: {  	[tilespmem:s31+$0xFFFFFBF0] =	vst v61  }
0x63: {  	[tilespmem:s31+$0x40] =	vst v62  }
0x64: {  	s24 =	sadd.s32 $0x800, s24;
	s17 =	sadd.s32 $0x800, s17;
	[tilespmem:s31+$0x50] =	vst v63  }
0x65: {  	s22 =	sadd.s32 $0x80, s22;
	p1 =	por !p1, !p1;
	s18 =	sadd.s32 $0x80, s18;
	[tilespmem:s24+$0x0] =	vst v0  }
0x66: {  	s15 =	sshll.u32 s15, $0x7;
	s17 =	sand.u32 $0x78, s12  }
0x67: {  	s18 =	sshll.u32 s12, $0x3;
	s14 =	sshll.u32 s14, $0x10;
	s13 =	sshll.u32 s13, $0xD  }
0x68: {  	s29 =	sand.u32 $0x1C00, s12;
	s15 =	sand.u32 $0x380, s15;
	s18 =	sand.u32 $0x1C00, s18  }
.Ltmp5:
0x69: {  	s14 =	sadd.s32 s2, s14;
	s15 =	sor.u32 s15, s17;
	(pc) =	sbr.rel .LBB1_7-.Ltmp5, $4  }
0x6a: {  	s30 =	sand.u32 $0x7, s12;
	s13 =	sadd.s32 s13, s14;
	s15 =	sor.u32 s18, s15  }
0x6b: {  	s12 =	sshll.u32 s30, $0x12;
	s13 =	sadd.s32 s29, s13;
	s31 =	sshrl.u32 s15, $0x3  }
0x6c: {  	s12 =	sor.u32 $0x800, s12;
	s13 =	sadd.s32 s31, s13  }
0x6d: {  	[hbm4b:s13+s12] =	stream.strided.scatter [tilespmem:s16], [sflag:$0x2], $0x4000, s6, s12, $0x38;
	[tilespmem:$0x10000] =	vst v63  }
.LBB1_8:
0x6e: {  	_ =	sfence.sel $0x180000  }
0x6f: {  	s2 =	simm.s32 $0x1;
	[bflag:$0x0] =	sbarrier.arrive $0xFFFF  }
0x70: {  	s31 =	simm.s32 $0x2;
	[sflag:s2] =	ssyncpa.u1 $0x1  }
0x71: {  	[sflag:s31] =	ssyncpa.u1 $0x1  }
0x72: {  	p0 =	sne.s32 s1, $0x0;
	_ =	strace $0x90000047  }
0x73: {  	s0 =	sadd.s32 @!p0 $0x100000, s0;
	[bflag:$0x2] =	sbarrier.arrive $0xFFFF  }
0x74: {  	[sflag:s0] =	ssyncadd.tile.s32 @!p0 $0x1;
	_ =	shalt  }
.Lfunc_end1:
_tile_overlayer_lowered:
.L_overlay_start_2:
0x75: {  	(tag) =	ssettag $0x2  }
0x76: {  	s0 =	rddreg [dreg:$0x0];
	s2 =	stileid.u32  }
0x77: {  	s1 =	rddreg [dreg:$0x1];
	p0 =	sne.s32 s2, $0x0  }
0x78: {  	s3 =	rddreg [dreg:$0x2];
	[bflag:$0x3] =	sbarrier.arrive $0xFFFF;
	s2 =	simm.s32 @!p0 $0x1C01  }
0x79: {  	[timem:s3], [sflag:s2] =	dma.local @!p0 [hbm:s0], s1  }
0x7a: {  	s0 =	simm.s32 @!p0 $0x1  }
0x7b: {  	_ =	swait.ge @!p0 [sflag:s0], s1  }
0x7c: {  	s1 =	ssub.s32 @!p0 $0x0, s1;
	[sflag:s0] =	ssyncset.done @!p0 $0x0  }
0x7d: {  	[sflag:s0] =	ssyncadd.s32 @!p0 s1  }
0x7e: {  	[bflag:$0x3] =	sbarrier.arrive $0xFFFF  }
0x7f: {  	_ =	shalt  }

</sc_bundles>
